<compile_context>
chip_gen: v7x
topology: tpu7x:2x2x1
jax: 0.10.2.dev20260603
libtpu: 0.0.44.dev20260713+nightly
codegen_flags: <defaults>
</compile_context>

<pallas_src>
import math

import jax
import jax.numpy as jnp
from jax import lax
from jax.experimental import pallas as pl
from jax.experimental.pallas import tpu as pltpu
from jax.experimental.pallas import tpu_sc as plsc

_NS = 16
_LANES = 16
_UNROLL = 8


def _sc_loss(xt, mink, k, log_uniform, inv_scale):
    n_rows, t = xt.shape
    rows_needed = 2 * _NS
    e_per_b = n_rows * k // rows_needed

    mesh = plsc.VectorSubcoreMesh(
        core_axis_name="c", subcore_axis_name="s", num_cores=1
    )

    def body(x_hbm, mink_hbm, part_hbm, out_hbm,
             minkv_v, row_a, row_b, stage_v, all_v, out_stage,
             sem_a, sem_b):
        w = lax.axis_index("s")
        pltpu.sync_copy(mink_hbm, minkv_v.at[pl.ds(0, k)])

        lane = lax.iota(jnp.int32, _LANES)
        mv = minkv_v[...]

        def row_of(q):
            mj = jnp.sum(jnp.where(lane == q % k, mv, 0))
            return (q // k) * e_per_b + mj

        cp_a = pltpu.async_copy(x_hbm.at[row_of(w)], row_a, sem_a)
        cp_b = pltpu.async_copy(x_hbm.at[row_of(w + _NS)], row_b, sem_b)
        cp_a.wait()

        accs0 = tuple(jnp.zeros((_LANES,), jnp.float32) for _ in range(_UNROLL))

        def make_step(ref):
            def step(i, accs):
                base = i * (_LANES * _UNROLL)
                return tuple(
                    a + ref[pl.ds(base + u * _LANES, _LANES)]
                    for u, a in enumerate(accs)
                )
            return step

        n_it = t // (_LANES * _UNROLL)
        accs = lax.fori_loop(0, n_it, make_step(row_a), accs0)
        cp_b.wait()
        accs = lax.fori_loop(0, n_it, make_step(row_b), accs)
        acc = accs[0]
        for a in accs[1:]:
            acc = acc + a

        stage_v[...] = acc
        pltpu.sync_copy(stage_v, part_hbm.at[w])
        plsc.subcore_barrier()

        @pl.when(w == 0)
        def _():
            pltpu.sync_copy(part_hbm, all_v)
            tot = all_v[0]
            for i in range(1, _NS):
                tot = tot + all_v[i]
            total = jnp.sum(tot)
            res = log_uniform + inv_scale * total
            out_stage[...] = jnp.zeros((_LANES,), jnp.float32) + res
            pltpu.sync_copy(out_stage, out_hbm)

    run = pl.kernel(
        body,
        mesh=mesh,
        out_type=[
            jax.ShapeDtypeStruct((_NS, _LANES), jnp.float32),
            jax.ShapeDtypeStruct((_LANES,), jnp.float32),
        ],
        scratch_types=[
            pltpu.VMEM((_LANES,), jnp.int32),
            pltpu.VMEM((t,), jnp.float32),
            pltpu.VMEM((t,), jnp.float32),
            pltpu.VMEM((_LANES,), jnp.float32),
            pltpu.VMEM((_NS, _LANES), jnp.float32),
            pltpu.VMEM((_LANES,), jnp.float32),
            pltpu.SemaphoreType.DMA,
            pltpu.SemaphoreType.DMA,
        ],
        compiler_params=pltpu.CompilerParams(needs_layout_passes=False),
    )
    return run(xt, mink)


def kernel(log_probs, top_k_indices, min_k_expert_indices, layer_idx):
    b, t, e = log_probs.shape
    n = b * t
    k = min_k_expert_indices.shape[0]

    xt = log_probs.transpose(0, 2, 1).reshape(b * e, t)
    mink = min_k_expert_indices.astype(jnp.int32)

    _, out = _sc_loss(xt, mink, k, math.log(1.0 / k), -1.0 / (k * n))
    return out[0]

# --- scband reference (transcript-rebuilt; emitter-appended) ---
"""Pipeline reference for scband-top-kmin-kloss-33724083208580 (READ-ONLY COPY).

The authoritative reference and input builder live on the scoring server;
editing this copy changes nothing except your own understanding.
"""

import jax, jax.numpy as jnp
import numpy as np

B, T, E = 4, 8192, 64
TOPK = 8
NUM_MINK = 8


def setup_inputs(seed: int = 0) -> dict:
    key = jax.random.key(seed)
    k1, k2, k3 = jax.random.split(key, 3)
    logits = jax.random.normal(k1, (B, T, E), dtype=jnp.float32)
    log_probs = jax.nn.log_softmax(logits, axis=-1)
    top_k_indices = jax.random.randint(k2, (B, T, TOPK), 0, E)
    # dict {layer_idx: [expert ids]} encoded as an index vector for the active layer
    min_k_expert_indices = jax.random.permutation(k3, E)[:NUM_MINK]
    layer_idx = 0
    return {
        "log_probs": log_probs,
        "top_k_indices": top_k_indices,
        "min_k_expert_indices": min_k_expert_indices,
        "layer_idx": layer_idx,
    }


def reference(log_probs, top_k_indices, min_k_expert_indices, layer_idx):
    b, t, e = log_probs.shape
    flat_log_probs = log_probs.reshape(-1, e)
    num_min_k = min_k_expert_indices.shape[0]
    # build target log-distribution: -inf everywhere, log(1/num_min_k) on selected experts
    target = jnp.full_like(flat_log_probs, -jnp.inf)
    target = target.at[:, min_k_expert_indices].set(jnp.log(1.0 / num_min_k))
    # KLDivLoss(log_target=True): exp(target) * (target - input); exp(-inf)=0 terms contribute 0
    neg = jnp.isneginf(target)
    t_safe = jnp.where(neg, 0.0, target)
    pointwise = jnp.where(neg, 0.0, jnp.exp(t_safe) * (t_safe - flat_log_probs))
    # reduction='batchmean': sum / first-dim size of flattened input
    loss = pointwise.sum() / flat_log_probs.shape[0]
    return loss

if __name__ == "__main__":
    import jax
    _d = setup_inputs()
    print(jax.jit(kernel)(*tuple(_d.values())))

</pallas_src>

<mosaic_0001>
#map = affine_map<(d0, d1) -> (0, 0)>
#map1 = affine_map<(d0, d1) -> (0)>
module attributes {stable_mosaic.version = 14 : i64} {
  func.func @body(%arg0: i32, %arg1: i32, %arg2: memref<256x8192xf32, #tpu.memory_space<hbm>>, %arg3: memref<8xi32, #tpu.memory_space<hbm>>, %arg4: memref<16x16xf32, #tpu.memory_space<hbm>>, %arg5: memref<16xf32, #tpu.memory_space<hbm>>, %arg6: memref<16xi32, #tpu.memory_space<vmem>>, %arg7: memref<8192xf32, #tpu.memory_space<vmem>>, %arg8: memref<8192xf32, #tpu.memory_space<vmem>>, %arg9: memref<16xf32, #tpu.memory_space<vmem>>, %arg10: memref<16x16xf32, #tpu.memory_space<vmem>>, %arg11: memref<16xf32, #tpu.memory_space<vmem>>, %arg12: memref<!tpu.dma_semaphore, #tpu.memory_space<semaphore_mem>>, %arg13: memref<!tpu.dma_semaphore, #tpu.memory_space<semaphore_mem>>) attributes {dimension_semantics = [#tpu.dimension_semantics<core_parallel>, #tpu.dimension_semantics<subcore_parallel>], iteration_bounds = array<i64: 1, 16>, scalar_prefetch = 0 : i64, scratch_operands = 8 : i64, tpu.core_type = #tpu.core_type<sc_vector_subcore>, window_params = [{transform_indices = #map}, {transform_indices = #map1}, {transform_indices = #map}, {transform_indices = #map1}]} {
    "tpu.region"() ({
      %run_scoped3A = tpu.sem_alloc : memref<!tpu.dma_semaphore, #tpu.memory_space<semaphore_mem>>
      %dma_start3A_153 = arith.constant 0 : i32
      %dma_start3A_154 = tpu.memref_slice %arg6[%dma_start3A_153] : memref<16xi32, #tpu.memory_space<vmem>> -> memref<8xi32, #tpu.memory_space<vmem>>
      %dma_start3A_155 = arith.constant 0 : i32
      %dma_start3A_156 = tpu.memref_slice %arg6[%dma_start3A_155] : memref<16xi32, #tpu.memory_space<vmem>> -> memref<8xi32, #tpu.memory_space<vmem>>
      tpu.enqueue_dma source(%arg3 : memref<8xi32, #tpu.memory_space<hbm>>) target(%dma_start3A_156 : memref<8xi32, #tpu.memory_space<vmem>>) target_semaphore(%run_scoped3A : memref<!tpu.dma_semaphore, #tpu.memory_space<semaphore_mem>>)
      %dma_wait3A_157 = arith.constant 0 : i32
      %dma_wait3A_158 = tpu.memref_slice %arg6[%dma_wait3A_157] : memref<16xi32, #tpu.memory_space<vmem>> -> memref<8xi32, #tpu.memory_space<vmem>>
      %dma_wait3A_159 = arith.constant 0 : i32
      %dma_wait3A_160 = tpu.memref_slice %arg6[%dma_wait3A_159] : memref<16xi32, #tpu.memory_space<vmem>> -> memref<8xi32, #tpu.memory_space<vmem>>
      tpu.wait_dma2 semaphore(%run_scoped3A : memref<!tpu.dma_semaphore, #tpu.memory_space<semaphore_mem>>) src(%arg3 : memref<8xi32, #tpu.memory_space<hbm>>) dst(%dma_wait3A_160 : memref<8xi32, #tpu.memory_space<vmem>>)
      tpu.yield
    }) : () -> ()
    %iota3A = tpu.iota {dimensions = array<i32: 0>} : vector<16xi32>
    %get3A = arith.constant 0 : index
    %get3A_0 = tpu.vector_load %arg6[%get3A] {strides = array<i32>} : memref<16xi32, #tpu.memory_space<vmem>>, vector<16xi32>,
    %jit3A = arith.constant 8 : i32
    %eq3A = arith.constant 0 : i32
    %eq3A_1 = arith.cmpi eq, %jit3A, %eq3A : i32
    %jit3A_2 = arith.constant 1 : i32
    %select_n3A = arith.select %eq3A_1, %jit3A_2, %jit3A : i32
    %rem3A = arith.remsi %arg1, %select_n3A : i32
    %ne3A = arith.constant 0 : i32
    %ne3A_3 = arith.cmpi ne, %rem3A, %ne3A : i32
    %lt3A = arith.constant 0 : i32
    %lt3A_4 = arith.cmpi slt, %rem3A, %lt3A : i32
    %lt3A_5 = arith.constant 0 : i32
    %lt3A_6 = arith.cmpi slt, %select_n3A, %lt3A_5 : i32
    %ne3A_7 = arith.xori %lt3A_4, %lt3A_6 : i1
    %and3A = arith.andi %ne3A_7, %ne3A_3 : i1
    %add3A = arith.addi %rem3A, %select_n3A : i32
    %select_n3A_8 = arith.select %and3A, %add3A, %rem3A : i32
    %eq3A_9 = vector.broadcast %select_n3A_8 : i32 to vector<16xi32>
    %eq3A_10 = arith.cmpi eq, %iota3A, %eq3A_9 : vector<16xi32>
    %jit3A_11 = arith.constant 0 : i32
    %broadcast_in_dim3A = vector.broadcast %jit3A_11 : i32 to vector<16xi32>
    %select_n3A_12 = arith.select %eq3A_10, %get3A_0, %broadcast_in_dim3A : vector<16xi1>, vector<16xi32>
    %reduce_sum3A = arith.constant true
    %reduce_sum3A_13 = vector.broadcast %reduce_sum3A : i1 to vector<16xi1>
    %reduce_sum3A_14 = tpu.scan <sum>, %select_n3A_12 masked %reduce_sum3A_13 : vector<16xi32>, vector<16xi1> -> vector<16xi32>
    %reduce_sum3A_15 = vector.extract %reduce_sum3A_14[15] : i32 from vector<16xi32>
    %jit3A_16 = arith.constant 8 : i32
    %div3A = arith.divsi %arg1, %jit3A_16 : i32
    %sign3A = arith.constant 0 : i32
    %sign3A_17 = arith.cmpi sgt, %arg1, %sign3A : i32
    %sign3A_18 = arith.extui %sign3A_17 : i1 to i32
    %sign3A_19 = arith.constant 0 : i32
    %sign3A_20 = arith.cmpi slt, %arg1, %sign3A_19 : i32
    %sign3A_21 = arith.extui %sign3A_20 : i1 to i32
    %sign3A_22 = arith.subi %sign3A_18, %sign3A_21 : i32
    %sign3A_23 = arith.constant 0 : i32
    %sign3A_24 = arith.cmpi sgt, %jit3A_16, %sign3A_23 : i32
    %sign3A_25 = arith.extui %sign3A_24 : i1 to i32
    %sign3A_26 = arith.constant 0 : i32
    %sign3A_27 = arith.cmpi slt, %jit3A_16, %sign3A_26 : i32
    %sign3A_28 = arith.extui %sign3A_27 : i1 to i32
    %sign3A_29 = arith.subi %sign3A_25, %sign3A_28 : i32
    %ne3A_30 = arith.cmpi ne, %sign3A_22, %sign3A_29 : i32
    %rem3A_31 = arith.remsi %arg1, %jit3A_16 : i32
    %ne3A_32 = arith.constant 0 : i32
    %ne3A_33 = arith.cmpi ne, %rem3A_31, %ne3A_32 : i32
    %and3A_34 = arith.andi %ne3A_30, %ne3A_33 : i1
    %sub3A = arith.constant 1 : i32
    %sub3A_35 = arith.subi %div3A, %sub3A : i32
    %select_n3A_36 = arith.select %and3A_34, %sub3A_35, %div3A : i32
    %mul3A = arith.constant 64 : i32
    %mul3A_37 = arith.muli %select_n3A_36, %mul3A : i32
    %add3A_38 = arith.addi %mul3A_37, %reduce_sum3A_15 : i32
    %dma_start3A = arith.constant 0 : i32
    %dma_start3A_39 = tpu.memref_slice %arg2[%add3A_38, %dma_start3A] : memref<256x8192xf32, #tpu.memory_space<hbm>> -> memref<1x8192xf32, #tpu.memory_space<hbm>>
    %dma_start3A_40 = tpu.memref_squeeze %dma_start3A_39 : memref<1x8192xf32, #tpu.memory_space<hbm>> -> memref<8192xf32, #tpu.memory_space<hbm>>
    %dma_start3A_41 = arith.constant 0 : i32
    %dma_start3A_42 = tpu.memref_slice %arg2[%add3A_38, %dma_start3A_41] : memref<256x8192xf32, #tpu.memory_space<hbm>> -> memref<1x8192xf32, #tpu.memory_space<hbm>>
    %dma_start3A_43 = tpu.memref_squeeze %dma_start3A_42 : memref<1x8192xf32, #tpu.memory_space<hbm>> -> memref<8192xf32, #tpu.memory_space<hbm>>
    tpu.enqueue_dma source(%dma_start3A_43 : memref<8192xf32, #tpu.memory_space<hbm>>) target(%arg7 : memref<8192xf32, #tpu.memory_space<vmem>>) target_semaphore(%arg12 : memref<!tpu.dma_semaphore, #tpu.memory_space<semaphore_mem>>)
    %add3A_44 = arith.constant 16 : i32
    %add3A_45 = arith.addi %arg1, %add3A_44 : i32
    %jit3A_46 = arith.constant 8 : i32
    %eq3A_47 = arith.constant 0 : i32
    %eq3A_48 = arith.cmpi eq, %jit3A_46, %eq3A_47 : i32
    %jit3A_49 = arith.constant 1 : i32
    %select_n3A_50 = arith.select %eq3A_48, %jit3A_49, %jit3A_46 : i32
    %rem3A_51 = arith.remsi %add3A_45, %select_n3A_50 : i32
    %ne3A_52 = arith.constant 0 : i32
    %ne3A_53 = arith.cmpi ne, %rem3A_51, %ne3A_52 : i32
    %lt3A_54 = arith.constant 0 : i32
    %lt3A_55 = arith.cmpi slt, %rem3A_51, %lt3A_54 : i32
    %lt3A_56 = arith.constant 0 : i32
    %lt3A_57 = arith.cmpi slt, %select_n3A_50, %lt3A_56 : i32
    %ne3A_58 = arith.xori %lt3A_55, %lt3A_57 : i1
    %and3A_59 = arith.andi %ne3A_58, %ne3A_53 : i1
    %add3A_60 = arith.addi %rem3A_51, %select_n3A_50 : i32
    %select_n3A_61 = arith.select %and3A_59, %add3A_60, %rem3A_51 : i32
    %eq3A_62 = vector.broadcast %select_n3A_61 : i32 to vector<16xi32>
    %eq3A_63 = arith.cmpi eq, %iota3A, %eq3A_62 : vector<16xi32>
    %jit3A_64 = arith.constant 0 : i32
    %broadcast_in_dim3A_65 = vector.broadcast %jit3A_64 : i32 to vector<16xi32>
    %select_n3A_66 = arith.select %eq3A_63, %get3A_0, %broadcast_in_dim3A_65 : vector<16xi1>, vector<16xi32>
    %reduce_sum3A_67 = arith.constant true
    %reduce_sum3A_68 = vector.broadcast %reduce_sum3A_67 : i1 to vector<16xi1>
    %reduce_sum3A_69 = tpu.scan <sum>, %select_n3A_66 masked %reduce_sum3A_68 : vector<16xi32>, vector<16xi1> -> vector<16xi32>
    %reduce_sum3A_70 = vector.extract %reduce_sum3A_69[15] : i32 from vector<16xi32>
    %jit3A_71 = arith.constant 8 : i32
    %div3A_72 = arith.divsi %add3A_45, %jit3A_71 : i32
    %sign3A_73 = arith.constant 0 : i32
    %sign3A_74 = arith.cmpi sgt, %add3A_45, %sign3A_73 : i32
    %sign3A_75 = arith.extui %sign3A_74 : i1 to i32
    %sign3A_76 = arith.constant 0 : i32
    %sign3A_77 = arith.cmpi slt, %add3A_45, %sign3A_76 : i32
    %sign3A_78 = arith.extui %sign3A_77 : i1 to i32
    %sign3A_79 = arith.subi %sign3A_75, %sign3A_78 : i32
    %sign3A_80 = arith.constant 0 : i32
    %sign3A_81 = arith.cmpi sgt, %jit3A_71, %sign3A_80 : i32
    %sign3A_82 = arith.extui %sign3A_81 : i1 to i32
    %sign3A_83 = arith.constant 0 : i32
    %sign3A_84 = arith.cmpi slt, %jit3A_71, %sign3A_83 : i32
    %sign3A_85 = arith.extui %sign3A_84 : i1 to i32
    %sign3A_86 = arith.subi %sign3A_82, %sign3A_85 : i32
    %ne3A_87 = arith.cmpi ne, %sign3A_79, %sign3A_86 : i32
    %rem3A_88 = arith.remsi %add3A_45, %jit3A_71 : i32
    %ne3A_89 = arith.constant 0 : i32
    %ne3A_90 = arith.cmpi ne, %rem3A_88, %ne3A_89 : i32
    %and3A_91 = arith.andi %ne3A_87, %ne3A_90 : i1
    %sub3A_92 = arith.constant 1 : i32
    %sub3A_93 = arith.subi %div3A_72, %sub3A_92 : i32
    %select_n3A_94 = arith.select %and3A_91, %sub3A_93, %div3A_72 : i32
    %mul3A_95 = arith.constant 64 : i32
    %mul3A_96 = arith.muli %select_n3A_94, %mul3A_95 : i32
    %add3A_97 = arith.addi %mul3A_96, %reduce_sum3A_70 : i32
    %dma_start3A_98 = arith.constant 0 : i32
    %dma_start3A_99 = tpu.memref_slice %arg2[%add3A_97, %dma_start3A_98] : memref<256x8192xf32, #tpu.memory_space<hbm>> -> memref<1x8192xf32, #tpu.memory_space<hbm>>
    %dma_start3A_100 = tpu.memref_squeeze %dma_start3A_99 : memref<1x8192xf32, #tpu.memory_space<hbm>> -> memref<8192xf32, #tpu.memory_space<hbm>>
    %dma_start3A_101 = arith.constant 0 : i32
    %dma_start3A_102 = tpu.memref_slice %arg2[%add3A_97, %dma_start3A_101] : memref<256x8192xf32, #tpu.memory_space<hbm>> -> memref<1x8192xf32, #tpu.memory_space<hbm>>
    %dma_start3A_103 = tpu.memref_squeeze %dma_start3A_102 : memref<1x8192xf32, #tpu.memory_space<hbm>> -> memref<8192xf32, #tpu.memory_space<hbm>>
    tpu.enqueue_dma source(%dma_start3A_103 : memref<8192xf32, #tpu.memory_space<hbm>>) target(%arg8 : memref<8192xf32, #tpu.memory_space<vmem>>) target_semaphore(%arg13 : memref<!tpu.dma_semaphore, #tpu.memory_space<semaphore_mem>>)
    %dma_wait3A = arith.constant 0 : i32
    %dma_wait3A_104 = tpu.memref_slice %arg2[%add3A_38, %dma_wait3A] : memref<256x8192xf32, #tpu.memory_space<hbm>> -> memref<1x8192xf32, #tpu.memory_space<hbm>>
    %dma_wait3A_105 = tpu.memref_squeeze %dma_wait3A_104 : memref<1x8192xf32, #tpu.memory_space<hbm>> -> memref<8192xf32, #tpu.memory_space<hbm>>
    %dma_wait3A_106 = arith.constant 0 : i32
    %dma_wait3A_107 = tpu.memref_slice %arg2[%add3A_38, %dma_wait3A_106] : memref<256x8192xf32, #tpu.memory_space<hbm>> -> memref<1x8192xf32, #tpu.memory_space<hbm>>
    %dma_wait3A_108 = tpu.memref_squeeze %dma_wait3A_107 : memref<1x8192xf32, #tpu.memory_space<hbm>> -> memref<8192xf32, #tpu.memory_space<hbm>>
    tpu.wait_dma2 semaphore(%arg12 : memref<!tpu.dma_semaphore, #tpu.memory_space<semaphore_mem>>) src(%dma_wait3A_108 : memref<8192xf32, #tpu.memory_space<hbm>>) dst(%arg7 : memref<8192xf32, #tpu.memory_space<vmem>>)
    %broadcast_in_dim3A_109 = arith.constant 0.000000e+00 : f32
    %broadcast_in_dim3A_110 = vector.broadcast %broadcast_in_dim3A_109 : f32 to vector<16xf32>
    %broadcast_in_dim3A_111 = arith.constant 0.000000e+00 : f32
    %broadcast_in_dim3A_112 = vector.broadcast %broadcast_in_dim3A_111 : f32 to vector<16xf32>
    %broadcast_in_dim3A_113 = arith.constant 0.000000e+00 : f32
    %broadcast_in_dim3A_114 = vector.broadcast %broadcast_in_dim3A_113 : f32 to vector<16xf32>
    %broadcast_in_dim3A_115 = arith.constant 0.000000e+00 : f32
    %broadcast_in_dim3A_116 = vector.broadcast %broadcast_in_dim3A_115 : f32 to vector<16xf32>
    %broadcast_in_dim3A_117 = arith.constant 0.000000e+00 : f32
    %broadcast_in_dim3A_118 = vector.broadcast %broadcast_in_dim3A_117 : f32 to vector<16xf32>
    %broadcast_in_dim3A_119 = arith.constant 0.000000e+00 : f32
    %broadcast_in_dim3A_120 = vector.broadcast %broadcast_in_dim3A_119 : f32 to vector<16xf32>
    %broadcast_in_dim3A_121 = arith.constant 0.000000e+00 : f32
    %broadcast_in_dim3A_122 = vector.broadcast %broadcast_in_dim3A_121 : f32 to vector<16xf32>
    %broadcast_in_dim3A_123 = arith.constant 0.000000e+00 : f32
    %broadcast_in_dim3A_124 = vector.broadcast %broadcast_in_dim3A_123 : f32 to vector<16xf32>
    %scan3A = arith.constant 0 : i32
    %scan3A_125 = arith.constant 64 : i32
    %scan3A_126 = arith.addi %scan3A, %scan3A_125 : i32
    %scan3A_127 = arith.constant 1 : i32
    %scan3A_128:8 = scf.for %scan3A_153 = %scan3A to %scan3A_126 step %scan3A_127 iter_args(%scan3A_154 = %broadcast_in_dim3A_110, %scan3A_155 = %broadcast_in_dim3A_112, %scan3A_156 = %broadcast_in_dim3A_114, %scan3A_157 = %broadcast_in_dim3A_116, %scan3A_158 = %broadcast_in_dim3A_118, %scan3A_159 = %broadcast_in_dim3A_120, %scan3A_160 = %broadcast_in_dim3A_122, %scan3A_161 = %broadcast_in_dim3A_124) -> (vector<16xf32>, vector<16xf32>, vector<16xf32>, vector<16xf32>, vector<16xf32>, vector<16xf32>, vector<16xf32>, vector<16xf32>)  : i32 {
      %mul3A_162 = arith.constant 128 : i32
      %mul3A_163 = arith.muli %scan3A_153, %mul3A_162 : i32
      %add3A_164 = arith.constant 0 : i32
      %add3A_165 = arith.addi %mul3A_163, %add3A_164 : i32
      %get3A_166 = arith.index_cast %add3A_165 : i32 to index
      %get3A_167 = tpu.vector_load %arg7[%get3A_166] {strides = array<i32>} : memref<8192xf32, #tpu.memory_space<vmem>>, vector<16xf32>,
      %add3A_168 = arith.addf %scan3A_154, %get3A_167 : vector<16xf32>
      %add3A_169 = arith.constant 16 : i32
      %add3A_170 = arith.addi %mul3A_163, %add3A_169 : i32
      %get3A_171 = arith.index_cast %add3A_170 : i32 to index
      %get3A_172 = tpu.vector_load %arg7[%get3A_171] {strides = array<i32>} : memref<8192xf32, #tpu.memory_space<vmem>>, vector<16xf32>,
      %add3A_173 = arith.addf %scan3A_155, %get3A_172 : vector<16xf32>
      %add3A_174 = arith.constant 32 : i32
      %add3A_175 = arith.addi %mul3A_163, %add3A_174 : i32
      %get3A_176 = arith.index_cast %add3A_175 : i32 to index
      %get3A_177 = tpu.vector_load %arg7[%get3A_176] {strides = array<i32>} : memref<8192xf32, #tpu.memory_space<vmem>>, vector<16xf32>,
      %add3A_178 = arith.addf %scan3A_156, %get3A_177 : vector<16xf32>
      %add3A_179 = arith.constant 48 : i32
      %add3A_180 = arith.addi %mul3A_163, %add3A_179 : i32
      %get3A_181 = arith.index_cast %add3A_180 : i32 to index
      %get3A_182 = tpu.vector_load %arg7[%get3A_181] {strides = array<i32>} : memref<8192xf32, #tpu.memory_space<vmem>>, vector<16xf32>,
      %add3A_183 = arith.addf %scan3A_157, %get3A_182 : vector<16xf32>
      %add3A_184 = arith.constant 64 : i32
      %add3A_185 = arith.addi %mul3A_163, %add3A_184 : i32
      %get3A_186 = arith.index_cast %add3A_185 : i32 to index
      %get3A_187 = tpu.vector_load %arg7[%get3A_186] {strides = array<i32>} : memref<8192xf32, #tpu.memory_space<vmem>>, vector<16xf32>,
      %add3A_188 = arith.addf %scan3A_158, %get3A_187 : vector<16xf32>
      %add3A_189 = arith.constant 80 : i32
      %add3A_190 = arith.addi %mul3A_163, %add3A_189 : i32
      %get3A_191 = arith.index_cast %add3A_190 : i32 to index
      %get3A_192 = tpu.vector_load %arg7[%get3A_191] {strides = array<i32>} : memref<8192xf32, #tpu.memory_space<vmem>>, vector<16xf32>,
      %add3A_193 = arith.addf %scan3A_159, %get3A_192 : vector<16xf32>
      %add3A_194 = arith.constant 96 : i32
      %add3A_195 = arith.addi %mul3A_163, %add3A_194 : i32
      %get3A_196 = arith.index_cast %add3A_195 : i32 to index
      %get3A_197 = tpu.vector_load %arg7[%get3A_196] {strides = array<i32>} : memref<8192xf32, #tpu.memory_space<vmem>>, vector<16xf32>,
      %add3A_198 = arith.addf %scan3A_160, %get3A_197 : vector<16xf32>
      %add3A_199 = arith.constant 112 : i32
      %add3A_200 = arith.addi %mul3A_163, %add3A_199 : i32
      %get3A_201 = arith.index_cast %add3A_200 : i32 to index
      %get3A_202 = tpu.vector_load %arg7[%get3A_201] {strides = array<i32>} : memref<8192xf32, #tpu.memory_space<vmem>>, vector<16xf32>,
      %add3A_203 = arith.addf %scan3A_161, %get3A_202 : vector<16xf32>
      scf.yield %add3A_168, %add3A_173, %add3A_178, %add3A_183, %add3A_188, %add3A_193, %add3A_198, %add3A_203 : vector<16xf32>, vector<16xf32>, vector<16xf32>, vector<16xf32>, vector<16xf32>, vector<16xf32>, vector<16xf32>, vector<16xf32>
    }
    %scan3A_129 = arith.constant 64 : i32
    %dma_wait3A_130 = arith.constant 0 : i32
    %dma_wait3A_131 = tpu.memref_slice %arg2[%add3A_97, %dma_wait3A_130] : memref<256x8192xf32, #tpu.memory_space<hbm>> -> memref<1x8192xf32, #tpu.memory_space<hbm>>
    %dma_wait3A_132 = tpu.memref_squeeze %dma_wait3A_131 : memref<1x8192xf32, #tpu.memory_space<hbm>> -> memref<8192xf32, #tpu.memory_space<hbm>>
    %dma_wait3A_133 = arith.constant 0 : i32
    %dma_wait3A_134 = tpu.memref_slice %arg2[%add3A_97, %dma_wait3A_133] : memref<256x8192xf32, #tpu.memory_space<hbm>> -> memref<1x8192xf32, #tpu.memory_space<hbm>>
    %dma_wait3A_135 = tpu.memref_squeeze %dma_wait3A_134 : memref<1x8192xf32, #tpu.memory_space<hbm>> -> memref<8192xf32, #tpu.memory_space<hbm>>
    tpu.wait_dma2 semaphore(%arg13 : memref<!tpu.dma_semaphore, #tpu.memory_space<semaphore_mem>>) src(%dma_wait3A_135 : memref<8192xf32, #tpu.memory_space<hbm>>) dst(%arg8 : memref<8192xf32, #tpu.memory_space<vmem>>)
    %scan3A_136 = arith.constant 0 : i32
    %scan3A_137 = arith.constant 64 : i32
    %scan3A_138 = arith.addi %scan3A_136, %scan3A_137 : i32
    %scan3A_139 = arith.constant 1 : i32
    %scan3A_140:8 = scf.for %scan3A_153 = %scan3A_136 to %scan3A_138 step %scan3A_139 iter_args(%scan3A_154 = %scan3A_128#0, %scan3A_155 = %scan3A_128#1, %scan3A_156 = %scan3A_128#2, %scan3A_157 = %scan3A_128#3, %scan3A_158 = %scan3A_128#4, %scan3A_159 = %scan3A_128#5, %scan3A_160 = %scan3A_128#6, %scan3A_161 = %scan3A_128#7) -> (vector<16xf32>, vector<16xf32>, vector<16xf32>, vector<16xf32>, vector<16xf32>, vector<16xf32>, vector<16xf32>, vector<16xf32>)  : i32 {
      %mul3A_162 = arith.constant 128 : i32
      %mul3A_163 = arith.muli %scan3A_153, %mul3A_162 : i32
      %add3A_164 = arith.constant 0 : i32
      %add3A_165 = arith.addi %mul3A_163, %add3A_164 : i32
      %get3A_166 = arith.index_cast %add3A_165 : i32 to index
      %get3A_167 = tpu.vector_load %arg8[%get3A_166] {strides = array<i32>} : memref<8192xf32, #tpu.memory_space<vmem>>, vector<16xf32>,
      %add3A_168 = arith.addf %scan3A_154, %get3A_167 : vector<16xf32>
      %add3A_169 = arith.constant 16 : i32
      %add3A_170 = arith.addi %mul3A_163, %add3A_169 : i32
      %get3A_171 = arith.index_cast %add3A_170 : i32 to index
      %get3A_172 = tpu.vector_load %arg8[%get3A_171] {strides = array<i32>} : memref<8192xf32, #tpu.memory_space<vmem>>, vector<16xf32>,
      %add3A_173 = arith.addf %scan3A_155, %get3A_172 : vector<16xf32>
      %add3A_174 = arith.constant 32 : i32
      %add3A_175 = arith.addi %mul3A_163, %add3A_174 : i32
      %get3A_176 = arith.index_cast %add3A_175 : i32 to index
      %get3A_177 = tpu.vector_load %arg8[%get3A_176] {strides = array<i32>} : memref<8192xf32, #tpu.memory_space<vmem>>, vector<16xf32>,
      %add3A_178 = arith.addf %scan3A_156, %get3A_177 : vector<16xf32>
      %add3A_179 = arith.constant 48 : i32
      %add3A_180 = arith.addi %mul3A_163, %add3A_179 : i32
      %get3A_181 = arith.index_cast %add3A_180 : i32 to index
      %get3A_182 = tpu.vector_load %arg8[%get3A_181] {strides = array<i32>} : memref<8192xf32, #tpu.memory_space<vmem>>, vector<16xf32>,
      %add3A_183 = arith.addf %scan3A_157, %get3A_182 : vector<16xf32>
      %add3A_184 = arith.constant 64 : i32
      %add3A_185 = arith.addi %mul3A_163, %add3A_184 : i32
      %get3A_186 = arith.index_cast %add3A_185 : i32 to index
      %get3A_187 = tpu.vector_load %arg8[%get3A_186] {strides = array<i32>} : memref<8192xf32, #tpu.memory_space<vmem>>, vector<16xf32>,
      %add3A_188 = arith.addf %scan3A_158, %get3A_187 : vector<16xf32>
      %add3A_189 = arith.constant 80 : i32
      %add3A_190 = arith.addi %mul3A_163, %add3A_189 : i32
      %get3A_191 = arith.index_cast %add3A_190 : i32 to index
      %get3A_192 = tpu.vector_load %arg8[%get3A_191] {strides = array<i32>} : memref<8192xf32, #tpu.memory_space<vmem>>, vector<16xf32>,
      %add3A_193 = arith.addf %scan3A_159, %get3A_192 : vector<16xf32>
      %add3A_194 = arith.constant 96 : i32
      %add3A_195 = arith.addi %mul3A_163, %add3A_194 : i32
      %get3A_196 = arith.index_cast %add3A_195 : i32 to index
      %get3A_197 = tpu.vector_load %arg8[%get3A_196] {strides = array<i32>} : memref<8192xf32, #tpu.memory_space<vmem>>, vector<16xf32>,
      %add3A_198 = arith.addf %scan3A_160, %get3A_197 : vector<16xf32>
      %add3A_199 = arith.constant 112 : i32
      %add3A_200 = arith.addi %mul3A_163, %add3A_199 : i32
      %get3A_201 = arith.index_cast %add3A_200 : i32 to index
      %get3A_202 = tpu.vector_load %arg8[%get3A_201] {strides = array<i32>} : memref<8192xf32, #tpu.memory_space<vmem>>, vector<16xf32>,
      %add3A_203 = arith.addf %scan3A_161, %get3A_202 : vector<16xf32>
      scf.yield %add3A_168, %add3A_173, %add3A_178, %add3A_183, %add3A_188, %add3A_193, %add3A_198, %add3A_203 : vector<16xf32>, vector<16xf32>, vector<16xf32>, vector<16xf32>, vector<16xf32>, vector<16xf32>, vector<16xf32>, vector<16xf32>
    }
    %scan3A_141 = arith.constant 64 : i32
    %add3A_142 = arith.addf %scan3A_140#0, %scan3A_140#1 : vector<16xf32>
    %add3A_143 = arith.addf %add3A_142, %scan3A_140#2 : vector<16xf32>
    %add3A_144 = arith.addf %add3A_143, %scan3A_140#3 : vector<16xf32>
    %add3A_145 = arith.addf %add3A_144, %scan3A_140#4 : vector<16xf32>
    %add3A_146 = arith.addf %add3A_145, %scan3A_140#5 : vector<16xf32>
    %add3A_147 = arith.addf %add3A_146, %scan3A_140#6 : vector<16xf32>
    %add3A_148 = arith.addf %add3A_147, %scan3A_140#7 : vector<16xf32>
    %swap3A = arith.constant 0 : index
    %swap3A_149 = tpu.vector_load %arg9[%swap3A] {strides = array<i32>} : memref<16xf32, #tpu.memory_space<vmem>>, vector<16xf32>,
    tpu.vector_store %arg9[%swap3A], %add3A_148 {strides = array<i32>} : memref<16xf32, #tpu.memory_space<vmem>>, vector<16xf32>,
    "tpu.region"() ({
      %run_scoped3A = tpu.sem_alloc : memref<!tpu.dma_semaphore, #tpu.memory_space<semaphore_mem>>
      %dma_start3A_153 = arith.constant 0 : i32
      %dma_start3A_154 = tpu.memref_slice %arg4[%arg1, %dma_start3A_153] : memref<16x16xf32, #tpu.memory_space<hbm>> -> memref<1x16xf32, #tpu.memory_space<hbm>>
      %dma_start3A_155 = tpu.memref_squeeze %dma_start3A_154 : memref<1x16xf32, #tpu.memory_space<hbm>> -> memref<16xf32, #tpu.memory_space<hbm>>
      %dma_start3A_156 = arith.constant 0 : i32
      %dma_start3A_157 = tpu.memref_slice %arg4[%arg1, %dma_start3A_156] : memref<16x16xf32, #tpu.memory_space<hbm>> -> memref<1x16xf32, #tpu.memory_space<hbm>>
      %dma_start3A_158 = tpu.memref_squeeze %dma_start3A_157 : memref<1x16xf32, #tpu.memory_space<hbm>> -> memref<16xf32, #tpu.memory_space<hbm>>
      tpu.enqueue_dma source(%arg9 : memref<16xf32, #tpu.memory_space<vmem>>) target(%dma_start3A_158 : memref<16xf32, #tpu.memory_space<hbm>>) target_semaphore(%run_scoped3A : memref<!tpu.dma_semaphore, #tpu.memory_space<semaphore_mem>>)
      %dma_wait3A_159 = arith.constant 0 : i32
      %dma_wait3A_160 = tpu.memref_slice %arg4[%arg1, %dma_wait3A_159] : memref<16x16xf32, #tpu.memory_space<hbm>> -> memref<1x16xf32, #tpu.memory_space<hbm>>
      %dma_wait3A_161 = tpu.memref_squeeze %dma_wait3A_160 : memref<1x16xf32, #tpu.memory_space<hbm>> -> memref<16xf32, #tpu.memory_space<hbm>>
      %dma_wait3A_162 = arith.constant 0 : i32
      %dma_wait3A_163 = tpu.memref_slice %arg4[%arg1, %dma_wait3A_162] : memref<16x16xf32, #tpu.memory_space<hbm>> -> memref<1x16xf32, #tpu.memory_space<hbm>>
      %dma_wait3A_164 = tpu.memref_squeeze %dma_wait3A_163 : memref<1x16xf32, #tpu.memory_space<hbm>> -> memref<16xf32, #tpu.memory_space<hbm>>
      tpu.wait_dma2 semaphore(%run_scoped3A : memref<!tpu.dma_semaphore, #tpu.memory_space<semaphore_mem>>) src(%arg9 : memref<16xf32, #tpu.memory_space<vmem>>) dst(%dma_wait3A_164 : memref<16xf32, #tpu.memory_space<hbm>>)
      tpu.yield
    }) : () -> ()
    %barrier3A = arith.constant 0 : index
    tpu.barrier barrier_id(%barrier3A)
    %eq3A_150 = arith.constant 0 : i32
    %eq3A_151 = arith.cmpi eq, %arg1, %eq3A_150 : i32
    %convert_element_type3A = arith.extui %eq3A_151 : i1 to i32
    %cond3A = arith.constant 0 : i32
    %cond3A_152 = arith.cmpi ne, %convert_element_type3A, %cond3A : i32
    scf.if %cond3A_152 {
      "tpu.region"() ({
        %run_scoped3A = tpu.sem_alloc : memref<!tpu.dma_semaphore, #tpu.memory_space<semaphore_mem>>
        tpu.enqueue_dma source(%arg4 : memref<16x16xf32, #tpu.memory_space<hbm>>) target(%arg10 : memref<16x16xf32, #tpu.memory_space<vmem>>) target_semaphore(%run_scoped3A : memref<!tpu.dma_semaphore, #tpu.memory_space<semaphore_mem>>)
        tpu.wait_dma2 semaphore(%run_scoped3A : memref<!tpu.dma_semaphore, #tpu.memory_space<semaphore_mem>>) src(%arg4 : memref<16x16xf32, #tpu.memory_space<hbm>>) dst(%arg10 : memref<16x16xf32, #tpu.memory_space<vmem>>)
        tpu.yield
      }) : () -> ()
      %get3A_153 = arith.constant 0 : i32
      %get3A_154 = arith.index_cast %get3A_153 : i32 to index
      %get3A_155 = arith.constant 0 : index
      %get3A_156 = tpu.vector_load %arg10[%get3A_154, %get3A_155] {strides = array<i32>} : memref<16x16xf32, #tpu.memory_space<vmem>>, vector<16xf32>,
      %get3A_157 = arith.constant 1 : i32
      %get3A_158 = arith.index_cast %get3A_157 : i32 to index
      %get3A_159 = arith.constant 0 : index
      %get3A_160 = tpu.vector_load %arg10[%get3A_158, %get3A_159] {strides = array<i32>} : memref<16x16xf32, #tpu.memory_space<vmem>>, vector<16xf32>,
      %add3A_161 = arith.addf %get3A_156, %get3A_160 : vector<16xf32>
      %get3A_162 = arith.constant 2 : i32
      %get3A_163 = arith.index_cast %get3A_162 : i32 to index
      %get3A_164 = arith.constant 0 : index
      %get3A_165 = tpu.vector_load %arg10[%get3A_163, %get3A_164] {strides = array<i32>} : memref<16x16xf32, #tpu.memory_space<vmem>>, vector<16xf32>,
      %add3A_166 = arith.addf %add3A_161, %get3A_165 : vector<16xf32>
      %get3A_167 = arith.constant 3 : i32
      %get3A_168 = arith.index_cast %get3A_167 : i32 to index
      %get3A_169 = arith.constant 0 : index
      %get3A_170 = tpu.vector_load %arg10[%get3A_168, %get3A_169] {strides = array<i32>} : memref<16x16xf32, #tpu.memory_space<vmem>>, vector<16xf32>,
      %add3A_171 = arith.addf %add3A_166, %get3A_170 : vector<16xf32>
      %get3A_172 = arith.constant 4 : i32
      %get3A_173 = arith.index_cast %get3A_172 : i32 to index
      %get3A_174 = arith.constant 0 : index
      %get3A_175 = tpu.vector_load %arg10[%get3A_173, %get3A_174] {strides = array<i32>} : memref<16x16xf32, #tpu.memory_space<vmem>>, vector<16xf32>,
      %add3A_176 = arith.addf %add3A_171, %get3A_175 : vector<16xf32>
      %get3A_177 = arith.constant 5 : i32
      %get3A_178 = arith.index_cast %get3A_177 : i32 to index
      %get3A_179 = arith.constant 0 : index
      %get3A_180 = tpu.vector_load %arg10[%get3A_178, %get3A_179] {strides = array<i32>} : memref<16x16xf32, #tpu.memory_space<vmem>>, vector<16xf32>,
      %add3A_181 = arith.addf %add3A_176, %get3A_180 : vector<16xf32>
      %get3A_182 = arith.constant 6 : i32
      %get3A_183 = arith.index_cast %get3A_182 : i32 to index
      %get3A_184 = arith.constant 0 : index
      %get3A_185 = tpu.vector_load %arg10[%get3A_183, %get3A_184] {strides = array<i32>} : memref<16x16xf32, #tpu.memory_space<vmem>>, vector<16xf32>,
      %add3A_186 = arith.addf %add3A_181, %get3A_185 : vector<16xf32>
      %get3A_187 = arith.constant 7 : i32
      %get3A_188 = arith.index_cast %get3A_187 : i32 to index
      %get3A_189 = arith.constant 0 : index
      %get3A_190 = tpu.vector_load %arg10[%get3A_188, %get3A_189] {strides = array<i32>} : memref<16x16xf32, #tpu.memory_space<vmem>>, vector<16xf32>,
      %add3A_191 = arith.addf %add3A_186, %get3A_190 : vector<16xf32>
      %get3A_192 = arith.constant 8 : i32
      %get3A_193 = arith.index_cast %get3A_192 : i32 to index
      %get3A_194 = arith.constant 0 : index
      %get3A_195 = tpu.vector_load %arg10[%get3A_193, %get3A_194] {strides = array<i32>} : memref<16x16xf32, #tpu.memory_space<vmem>>, vector<16xf32>,
      %add3A_196 = arith.addf %add3A_191, %get3A_195 : vector<16xf32>
      %get3A_197 = arith.constant 9 : i32
      %get3A_198 = arith.index_cast %get3A_197 : i32 to index
      %get3A_199 = arith.constant 0 : index
      %get3A_200 = tpu.vector_load %arg10[%get3A_198, %get3A_199] {strides = array<i32>} : memref<16x16xf32, #tpu.memory_space<vmem>>, vector<16xf32>,
      %add3A_201 = arith.addf %add3A_196, %get3A_200 : vector<16xf32>
      %get3A_202 = arith.constant 10 : i32
      %get3A_203 = arith.index_cast %get3A_202 : i32 to index
      %get3A_204 = arith.constant 0 : index
      %get3A_205 = tpu.vector_load %arg10[%get3A_203, %get3A_204] {strides = array<i32>} : memref<16x16xf32, #tpu.memory_space<vmem>>, vector<16xf32>,
      %add3A_206 = arith.addf %add3A_201, %get3A_205 : vector<16xf32>
      %get3A_207 = arith.constant 11 : i32
      %get3A_208 = arith.index_cast %get3A_207 : i32 to index
      %get3A_209 = arith.constant 0 : index
      %get3A_210 = tpu.vector_load %arg10[%get3A_208, %get3A_209] {strides = array<i32>} : memref<16x16xf32, #tpu.memory_space<vmem>>, vector<16xf32>,
      %add3A_211 = arith.addf %add3A_206, %get3A_210 : vector<16xf32>
      %get3A_212 = arith.constant 12 : i32
      %get3A_213 = arith.index_cast %get3A_212 : i32 to index
      %get3A_214 = arith.constant 0 : index
      %get3A_215 = tpu.vector_load %arg10[%get3A_213, %get3A_214] {strides = array<i32>} : memref<16x16xf32, #tpu.memory_space<vmem>>, vector<16xf32>,
      %add3A_216 = arith.addf %add3A_211, %get3A_215 : vector<16xf32>
      %get3A_217 = arith.constant 13 : i32
      %get3A_218 = arith.index_cast %get3A_217 : i32 to index
      %get3A_219 = arith.constant 0 : index
      %get3A_220 = tpu.vector_load %arg10[%get3A_218, %get3A_219] {strides = array<i32>} : memref<16x16xf32, #tpu.memory_space<vmem>>, vector<16xf32>,
      %add3A_221 = arith.addf %add3A_216, %get3A_220 : vector<16xf32>
      %get3A_222 = arith.constant 14 : i32
      %get3A_223 = arith.index_cast %get3A_222 : i32 to index
      %get3A_224 = arith.constant 0 : index
      %get3A_225 = tpu.vector_load %arg10[%get3A_223, %get3A_224] {strides = array<i32>} : memref<16x16xf32, #tpu.memory_space<vmem>>, vector<16xf32>,
      %add3A_226 = arith.addf %add3A_221, %get3A_225 : vector<16xf32>
      %get3A_227 = arith.constant 15 : i32
      %get3A_228 = arith.index_cast %get3A_227 : i32 to index
      %get3A_229 = arith.constant 0 : index
      %get3A_230 = tpu.vector_load %arg10[%get3A_228, %get3A_229] {strides = array<i32>} : memref<16x16xf32, #tpu.memory_space<vmem>>, vector<16xf32>,
      %add3A_231 = arith.addf %add3A_226, %get3A_230 : vector<16xf32>
      %reduce_sum3A_232 = arith.constant true
      %reduce_sum3A_233 = vector.broadcast %reduce_sum3A_232 : i1 to vector<16xi1>
      %reduce_sum3A_234 = tpu.scan <sum>, %add3A_231 masked %reduce_sum3A_233 : vector<16xf32>, vector<16xi1> -> vector<16xf32>
      %reduce_sum3A_235 = vector.extract %reduce_sum3A_234[15] : f32 from vector<16xf32>
      %mul3A_236 = arith.constant -3.81469727E-6 : f32
      %mul3A_237 = arith.mulf %mul3A_236, %reduce_sum3A_235 : f32
      %add3A_238 = arith.constant -2.07944155 : f32
      %add3A_239 = arith.addf %add3A_238, %mul3A_237 : f32
      %broadcast_in_dim3A_240 = arith.constant 0.000000e+00 : f32
      %broadcast_in_dim3A_241 = vector.broadcast %broadcast_in_dim3A_240 : f32 to vector<16xf32>
      %add3A_242 = vector.broadcast %add3A_239 : f32 to vector<16xf32>
      %add3A_243 = arith.addf %broadcast_in_dim3A_241, %add3A_242 : vector<16xf32>
      %swap3A_244 = arith.constant 0 : index
      %swap3A_245 = tpu.vector_load %arg11[%swap3A_244] {strides = array<i32>} : memref<16xf32, #tpu.memory_space<vmem>>, vector<16xf32>,
      tpu.vector_store %arg11[%swap3A_244], %add3A_243 {strides = array<i32>} : memref<16xf32, #tpu.memory_space<vmem>>, vector<16xf32>,
      "tpu.region"() ({
        %run_scoped3A = tpu.sem_alloc : memref<!tpu.dma_semaphore, #tpu.memory_space<semaphore_mem>>
        tpu.enqueue_dma source(%arg11 : memref<16xf32, #tpu.memory_space<vmem>>) target(%arg5 : memref<16xf32, #tpu.memory_space<hbm>>) target_semaphore(%run_scoped3A : memref<!tpu.dma_semaphore, #tpu.memory_space<semaphore_mem>>)
        tpu.wait_dma2 semaphore(%run_scoped3A : memref<!tpu.dma_semaphore, #tpu.memory_space<semaphore_mem>>) src(%arg11 : memref<16xf32, #tpu.memory_space<vmem>>) dst(%arg5 : memref<16xf32, #tpu.memory_space<hbm>>)
        tpu.yield
      }) : () -> ()
    } else {
    }
    return
  }
}

</mosaic_0001>

<sc_bundles>
// kernel: kernel.3.cloned.1.call-start
scs
__scs_entry_jumppad:
0x0: {  	(pc) =	sbr.rel $0x88, $3  }
0x1: {  	(tag) =	ssettag $0x0;
	lr =	simm.s32 $0x1  }
0x2: {  	[smem:$0x3F9F] =	sst lr;
	_ =	strace $0xD0000000  }
0x3: {  	_ = 	snop  }
0x4: {  	_ = 	snop  }
0x5: {  	_ = 	snop  }
0x6: {  	_ = 	snop  }
0x7: {  	_ = 	snop  }
__scs_overlays_trampoline_lowered:
0x8: {  	[smem:$0x3FAE] =	sst s0  }
0x9: {  	[smem:$0x3FAF] =	sst s1  }
0xa: {  	[smem:$0x3FB0] =	sst s2  }
0xb: {  	[smem:$0x3FB1] =	sst s3  }
0xc: {  	[smem:$0x3FB2] =	sst s4  }
0xd: {  	[smem:$0x3FB3] =	sst s5  }
0xe: {  	[smem:$0x3FB4] =	sst s6  }
0xf: {  	[smem:$0x3FB5] =	sst s7  }
0x10: {  	[smem:$0x3FB6] =	sst s8  }
0x11: {  	[smem:$0x3FB7] =	sst s9;
	s0 =	simm.s32 @!p0 $0x0  }
0x12: {  	s1 =	sld [smem:$0x3F9D];
	s0 =	simm.s32 @p0 $0x1  }
0x13: {  	[smem:$0x3FB8] =	sst s0;
	s0 =	simm.s32 @!p1 $0x0  }
0x14: {  	s2 =	sld [smem:$0x3F9C];
	s0 =	simm.s32 @p1 $0x1  }
0x15: {  	[smem:$0x3FB9] =	sst s0;
	s0 =	simm.s32 @!p2 $0x0  }
0x16: {  	s3 =	sld [smem:$0x3FDB];
	s0 =	simm.s32 @p2 $0x1  }
0x17: {  	s4 =	simm.s32 $0x1BF5;
	[smem:$0x3FBB] =	sst s0  }
0x18: {  	s0 =	sld [smem:$0x3F9E];
	_ =	swait.ge [sflag:s4], $0x0  }
0x19: {  	s7 =	sld [smem:$0x3F9F]  }
0x1a: {  	s8 =	sadd.s32 $0xFFFFE003, lr  }
0x1b: {  	s9 =	sadd.s32 $0xFFFFFEF7, lr;
	s5 =	simm.s32 $0xFFFFFFFF;
	p2 =	slt.u32 s8, $0xFFFFF086  }
0x1c: {  	p1 =	slt.u32 s9, $0xF7A;
	s5 =	simm.s32 @!p2 $0x0  }
0x1d: {  	s5 =	simm.s32 @p1 $0x1;
	p0 =	seq.s32 s7, s2  }
0x1e: {  	s7 =	smul.u32 @!p0 $0xF7A, s2;
	p2 =	seq.s32 @!p0 s5, $0x0  }
0x1f: {  	s9 =	smul.u32 $0xF7A, s1;
	s8 =	simm.s32 @!p0 $0x1BF5;
	p2 =	por !p2, p0  }
0x20: {  	[sflag:s8] =	ssyncset.s32 @!p0 $0xFFFFF086;
	s6 =	sadd.s32 @!p0 s3, s7;
	s7 =	simm.s32 @!p0 $0x108  }
0x21: {  	s3 =	sadd.s32 s3, s9;
	s6 =	sadd.s32 @!p0 $0x88, s6;
	s7 =	simm.s32 @p2 $0x1082  }
0x22: {  	[simem:s7], [sflag:s8] =	dma.local @!p0 [hbm:s6], $0xF7A  }
0x23: {  	s9 =	sor.u32 $0xD0000000, s2;
	s6 =	simm.s32 $0x108;
	_ =	swait.ge @!p0 [sflag:s8], $0x0  }
0x24: {  	s3 =	sadd.s32 $0x88, s3;
	s6 =	simm.s32 @!p1 $0x1082;
	[sflag:s4] =	ssyncset.s32 $0xFFFFF086  }
0x25: {  	[simem:s6], [sflag:s4] =	dma.local [hbm:s3], $0xF7A  }
0x26: {  	[smem:$0x3F9F] =	sst s1;
	(tag) =	ssettag s2;
	_ =	strace s9  }
0x27: {  	s1 =	sld [smem:$0x3FAF]  }
0x28: {  	s2 =	sld [smem:$0x3FB0]  }
0x29: {  	s4 =	sld [smem:$0x3FB2]  }
0x2a: {  	p0 =	seq.s32 s5, $0x0;
	s5 =	sld [smem:$0x3FB3]  }
0x2b: {  	s6 =	sld [smem:$0x3FB4]  }
0x2c: {  	s7 =	sld [smem:$0x3FB5]  }
0x2d: {  	s3 =	simm.s32 $0x108;
	s8 =	sld [smem:$0x3FB6]  }
0x2e: {  	s3 =	simm.s32 @!p0 $0x1082;
	s9 =	sld [smem:$0x3FB7]  }
0x2f: {  	lr =	sadd.s32 s0, s3;
	s0 =	sld [smem:$0x3FAE]  }
0x30: {  	s3 =	sld [smem:$0x3FB1]  }
0x31: {  	[smem:$0x3FBA] =	sst s10  }
0x32: {  	s10 =	sld [smem:$0x3FB8];
	_ =	sdelay $0x3  }
0x33: {  	p0 =	seq.s32 s10, $0x1;
	s10 =	sld [smem:$0x3FBA];
	_ =	sdelay $0x3  }
0x34: {  	[smem:$0x3FBA] =	sst s10  }
0x35: {  	s10 =	sld [smem:$0x3FB9];
	_ =	sdelay $0x3  }
0x36: {  	p1 =	seq.s32 s10, $0x1;
	s10 =	sld [smem:$0x3FBA];
	_ =	sdelay $0x3  }
0x37: {  	[smem:$0x3FBA] =	sst s10  }
0x38: {  	s10 =	sld [smem:$0x3FBB]  }
0x39: {  	_ = 	snop;
	(pc) =	sbr.ind lr, $3  }
0x3a: {  	_ = 	snop  }
0x3b: {  	_ = 	snop  }
0x3c: {  	p2 =	seq.s32 s10, $0x1;
	s10 =	sld [smem:$0x3FBA]  }
0x3d: {  	_ =	shalt  }
0x3e: {  	_ =	shalt  }
0x3f: {  	_ =	shalt  }
0x40: {  	_ =	shalt  }
0x41: {  	_ =	shalt  }
0x42: {  	_ =	shalt  }
0x43: {  	_ =	shalt  }
0x44: {  	_ =	shalt  }
0x45: {  	_ =	shalt  }
0x46: {  	_ =	shalt  }
0x47: {  	_ =	shalt  }
0x48: {  	_ =	shalt  }
0x49: {  	_ =	shalt  }
0x4a: {  	_ =	shalt  }
0x4b: {  	_ =	shalt  }
0x4c: {  	_ =	shalt  }
0x4d: {  	_ =	shalt  }
0x4e: {  	_ =	shalt  }
0x4f: {  	_ =	shalt  }
0x50: {  	_ =	shalt  }
0x51: {  	_ =	shalt  }
0x52: {  	_ =	shalt  }
0x53: {  	_ =	shalt  }
0x54: {  	_ =	shalt  }
0x55: {  	_ =	shalt  }
0x56: {  	_ =	shalt  }
0x57: {  	_ =	shalt  }
0x58: {  	_ =	shalt  }
0x59: {  	_ =	shalt  }
0x5a: {  	_ =	shalt  }
0x5b: {  	_ =	shalt  }
0x5c: {  	_ =	shalt  }
0x5d: {  	_ =	shalt  }
0x5e: {  	_ =	shalt  }
0x5f: {  	_ =	shalt  }
0x60: {  	_ =	shalt  }
0x61: {  	_ =	shalt  }
0x62: {  	_ =	shalt  }
0x63: {  	_ =	shalt  }
0x64: {  	_ =	shalt  }
0x65: {  	_ =	shalt  }
0x66: {  	_ =	shalt  }
0x67: {  	_ =	shalt  }
0x68: {  	_ =	shalt  }
0x69: {  	_ =	shalt  }
0x6a: {  	_ =	shalt  }
0x6b: {  	_ =	shalt  }
0x6c: {  	_ =	shalt  }
0x6d: {  	_ =	shalt  }
0x6e: {  	_ =	shalt  }
0x6f: {  	_ =	shalt  }
0x70: {  	_ =	shalt  }
0x71: {  	_ =	shalt  }
0x72: {  	_ =	shalt  }
0x73: {  	_ =	shalt  }
0x74: {  	_ =	shalt  }
0x75: {  	_ =	shalt  }
0x76: {  	_ =	shalt  }
0x77: {  	_ =	shalt  }
0x78: {  	_ =	shalt  }
0x79: {  	_ =	shalt  }
0x7a: {  	_ =	shalt  }
0x7b: {  	_ =	shalt  }
0x7c: {  	_ =	shalt  }
0x7d: {  	_ =	shalt  }
0x7e: {  	_ =	shalt  }
0x7f: {  	_ =	shalt  }
0x80: {  	_ =	shalt  }
0x81: {  	_ =	shalt  }
0x82: {  	_ =	shalt  }
0x83: {  	_ =	shalt  }
0x84: {  	_ =	shalt  }
0x85: {  	_ =	shalt  }
0x86: {  	_ =	shalt  }
0x87: {  	_ =	shalt  }
.Lfunc_end0:
.L_simem_size_0:
called_computation_lowered:
.L_overlay_start_0:
0x88: {  	s0 =	sld [smem:$0x3FD9]  }
0x89: {  	s1 =	sld [smem:$0x3FFE];
	_ =	sdelay $0x3  }
0x8a: {  	s0 =	sadd.s32 s1, s0  }
0x8b: {  	[smem:$0x3FC6] =	sst s0  }
0x8c: {  	_ = 	snop  }
0x8d: {  	s0 =	sld [smem:$0x3FC9]  }
0x8e: {  	s16 =	sld [smem:$0x3FC8]  }
0x8f: {  	s2 =	sld [smem:$0x3FD0];
	(tm) =	ssettm $0x1  }
0x90: {  	s3 =	sld [smem:$0x3FFB];
	_ =	sdelay $0x3  }
0x91: {  	_ =	strace s3  }
0x92: {  	s3 =	sld [smem:$0x3FFC];
	_ =	sdelay $0x3  }
0x93: {  	_ =	strace s3  }
0x94: {  	s3 =	sld [smem:$0x3FFD];
	_ =	sdelay $0x3  }
0x95: {  	_ =	strace s3  }
0x96: {  	_ =	strace $0x8FFFFFFF  }
0x97: {  	s17 =	sld [smem:$0x3FDB];
	_ =	sdelay $0x1  }
0x98: {  	s4 =	simm.s32 $_scs_section_size  }
0x99: {  	s5 =	simm.s32 $_size__tile_overlayer_lowered;
	s6 =	simm.s32 $_tile_overlayer_lowered  }
0x9a: {  	s20 =	simm.s32 $0x1BFF;
	s19 =	sshll.u32 s6, $0x1;
	s3 =	sadd.s32 s4, s17  }
0x9b: {  	s7 =	simm.s32 $0x0;
	s18 =	sshll.u32 s5, $0x1;
	s5 =	sadd.s32 s19, s3  }
0x9c: {  	[timem:s7], [sflag:s20] =	dma.local [hbm:s5], s18  }
0x9d: {  	_ =	swait.ge [sflag:s20], s18  }
0x9e: {  	s4 =	ssub.s32 $0x0, s18;
	[sflag:s20] =	ssyncset.done $0x0  }
0x9f: {  	[sflag:s20] =	ssyncadd.s32 s4;
	_ =	sdelay $0x1  }
0xa0: {  	s21 =	simm.s32 $0x1B8B  }
0xa1: {  	_ =	swait.ge [sflag:s21], $0x1  }
0xa2: {  	[sflag:s21] =	ssyncset.done $0x0  }
0xa3: {  	s23 =	simm.s32 $0x1B8E;
	s22 =	sld [smem:$0x3FFE];
	[sflag:s21] =	ssyncadd.s32 $0xFFFFFFFF  }
0xa4: {  	s24 =	simm.s32 $execute0_lowered;
	[smem:$0x3FD2] =	sst s23  }
0xa5: {  	s5 =	sshll.u32 s24, $0x1;
	_ =	strace $0x80000046;
	[dreg:$0x1] =	wrdreg $0xFFFFFFFF  }
0xa6: {  	s25 =	simm.s32 $_size_execute0_lowered;
	s3 =	sadd.s32 s3, s5;
	[dreg:$0x0] =	wrdreg $0x0  }
0xa7: {  	s5 =	sshll.u32 s25, $0x1;
	[dreg:$0x2] =	wrdreg s3  }
0xa8: {  	[dreg:$0x3] =	wrdreg s5  }
0xa9: {  	[dreg:$0x4] =	wrdreg $0xC0  }
0xaa: {  	_ =	task [dreg:s7], $0x5FFFF  }
0xab: {  	[dreg:$0x1] =	wrdreg $0xFFFFFFFF  }
0xac: {  	[dreg:$0x0] =	wrdreg $0x60  }
0xad: {  	[dreg:$0x2] =	wrdreg s0  }
0xae: {  	[dreg:$0x3] =	wrdreg s16  }
0xaf: {  	[dreg:$0x4] =	wrdreg s22  }
0xb0: {  	[dreg:$0x5] =	wrdreg s2  }
0xb1: {  	[dreg:$0x6] =	wrdreg $0x9  }
0xb2: {  	_ =	task.clear_ibuf [dreg:s7], $0x7FFFF;
	_ =	strace $0x90000046  }
0xb3: {  	s26 =	simm.s32 $0x9;
	_ =	strace $0x80000048  }
0xb4: {  	_ =	swait.ge [sflag:s26], $0x1  }
0xb5: {  	[sflag:s26] =	ssyncadd.s32 $0xFFFFFFFF  }
0xb6: {  	_ =	strace $0x90000048  }
0xb7: {  	_ =	sfence  }
0xb8: {  	s28 =	sld [smem:$0x0];
	_ =	sdelay $0x1  }
0xb9: {  	s29 =	srdreg.scid  }
0xba: {  	s30 =	sshll.u32 s29, $0xD;
	s31 =	sshrl.u32 s29, $0x2  }
0xbb: {  	s1 =	sand.u32 $0x1, s29;
	s2 =	sand.u32 $0x4000, s30;
	s0 =	sadd.s32 s31, s28  }
0xbc: {  	s1 =	sor.u32 s2, s1;
	s0 =	sshll.u32 s0, $0x11  }
0xbd: {  	s0 =	sor.u32 s0, s1  }
0xbe: {  	s0 =	sadd.s32 $0x8F2B, s0  }
0xbf: {  	[sflag:s0] =	ssyncadd.remote.s32 $0x1  }
0xc0: {  	_ =	sfence.sel $0xFFFF  }
0xc1: {  	[dreg:$0x0] =	wrdreg $0xFFFFFFFF;
	(pc) =	sbr.abs _section_cstart, $3  }
0xc2: {  	[dreg:$0x1] =	wrdreg $0xFFFFFFFF  }
0xc3: {  	_ =	task.clear_ibuf [dreg:s7], $0x2FFFF;
	_ =	strace $0x9FFFFFFF  }
0xc4: {  	(tm) =	ssettm $0x7FFFFFFF  }
0xc5: {  	_ =	shalt  }
tec
execute0_lowered:
.L_overlay_start_1:
0x0: {  	(tag) =	ssettag $0x1  }
0x1: {  	s3 =	rddreg [dreg:$0x0]  }
0x2: {  	s2 =	rddreg [dreg:$0x1]  }
0x3: {  	s4 =	rddreg [dreg:$0x2]  }
0x4: {  	s1 =	rddreg [dreg:$0x3];
	s5 =	simm.s32 $0x0  }
0x5: {  	[smem:$0x7FF] =	sst s5  }
0x6: {  	s0 =	rddreg [dreg:$0x4];
	s25 =	simm.s32 $0x3;
	_ =	strace $0x80000047  }
0x7: {  	[tilespmem:s5], [sflag:$0x3] =	stream.linear.gather [hbm4b:s2+s5], $0x8, $0x38;
	[tilespmem:$0x4980] =	vst v63  }
0x8: {  	_ =	swait.ge [sflag:s25], $0x8  }
0x9: {  	[sflag:s25] =	ssyncset.done $0x0  }
0xa: {  	[sflag:s25] =	ssyncadd.s32 $0xFFFFFFF8  }
0xb: {  	v0 =	vld [tilespmem:$0x0]  }
0xc: {  	s2 =	stileid.u32  }
0xd: {  	s26 =	sand.u32 $0x7, s2  }
0xe: {  	v2 =	vlaneseq.u32;
	v1 =	vmov s26  }
0xf: {  	vm0 =	veq.s32 v1, v2  }
0x10: {  	v0 =	vnsel vm0, $0x0, v0  }
0x11: {  	(xrf0) =	vadd.scan.msk.s32 $0xffff, v0;
	_ =	sdelay $0x5  }
0x12: {  	v0, _, _ =	vpop (xrf0)  }
0x13: {  	(v2sf) =	vpush v0, $0xF;
	_ =	sdelay $0xe  }
0x14: {  	s28 =	sshll.u32 s2, $0x10;
	s6 =	spop (v2sf)  }
0x15: {  	s5 =	sand.u32 $0x80000, s28;
	s7 =	sshll.u32 s6, $0xD  }
0x16: {  	s6 =	sshll.u32 s6, $0x7;
	s5 =	sadd.s32 s5, s7  }
0x17: {  	s6 =	sand.u32 $0x380, s6;
	s7 =	sand.u32 $0xFFFF0000, s5;
	s5 =	sadd.s32 $0x100000, s5  }
0x18: {  	s7 =	sor.u32 s6, s7;
	s5 =	sand.u32 $0xFFFF0000, s5  }
0x19: {  	s8 =	simm.s32 $0x400;
	s7 =	sshrl.u32 s7, $0x3;
	s5 =	sor.u32 s6, s5  }
0x1a: {  	s9 =	simm.s32 $0x80;
	s7 =	sadd.s32 s3, s7;
	s5 =	sshrl.u32 s5, $0x3  }
0x1b: {  	[tilespmem:s9], [sflag:$0x1] =	stream.strided.gather [hbm4b:s7+s9], $0x2000, s8, s9, $0x38;
	[tilespmem:$0x4980] =	vst v63  }
0x1c: {  	s29 =	simm.s32 $0x2080;
	s30 =	simm.s32 $0x1;
	s3 =	sadd.s32 s3, s5  }
0x1d: {  	[tilespmem:s29], [sflag:$0x2] =	stream.strided.gather [hbm4b:s3+s9], $0x2000, s8, s9, $0x38;
	[tilespmem:$0x4980] =	vst v63  }
0x1e: {  	_ =	swait.ge [sflag:s30], $0x2000  }
0x1f: {  	[sflag:s30] =	ssyncset.done $0x0  }
0x20: {  	s31 =	simm.s32 $0x0;
	[sflag:s30] =	ssyncadd.s32 $0xFFFFE000  }
0x21: {  	v0 =	vld [tilespmem:s31+$0xF0]  }
0x22: {  	v2 =	vld [tilespmem:s31+$0x80]  }
0x23: {  	v4 =	vld [tilespmem:s31+$0x90]  }
0x24: {  	v5 =	vld [tilespmem:s31+$0xA0]  }
0x25: {  	v7 =	vld [tilespmem:s31+$0xB0]  }
0x26: {  	v3 =	vimm.f32 $0.0e+00;
	v9 =	vimm.f32 $0.0e+00;
	v6 =	vld [tilespmem:s31+$0xC0]  }
0x27: {  	v10 =	vimm.f32 $0.0e+00;
	v8 =	vimm.f32 $0.0e+00;
	v11 =	vld [tilespmem:s31+$0xD0];
	v1 =	vadd.f32 v0, v3  }
0x28: {  	s5 =	simm.s32 $0x400;
	s3 =	sadd.s32 $0x800, s4;
	s4 =	simm.s32 $0x80;
	v12 =	vld [tilespmem:s31+$0xE0];
	v0 =	vadd.f32 v2, v3;
	v2 =	vadd.f32 v4, v3;
	v4 =	vimm.f32 $0.0e+00  }
.LBB2_1:
0x29: {  	p0 =	sne.s32 s5, $0x7E00;
	v13 =	vld [tilespmem:s4+$0xF0];
	v3 =	vadd.f32 v5, v3  }
0x2a: {  	v14 =	vld [tilespmem:s4+$0x80];
	v4 =	vadd.f32 v7, v4  }
0x2b: {  	v15 =	vld [tilespmem:s4+$0x90];
	v9 =	vadd.f32 v6, v9  }
.Ltmp0:
0x2c: {  	v5 =	vld [tilespmem:s4+$0xA0];
	v10 =	vadd.f32 v11, v10;
	(pc) =	sbr.rel @p0 .LBB2_1-.Ltmp0, $4  }
0x2d: {  	v7 =	vld [tilespmem:s4+$0xB0];
	v8 =	vadd.f32 v12, v8  }
0x2e: {  	v6 =	vld [tilespmem:s4+$0xC0];
	v1 =	vadd.f32 v13, v1  }
0x2f: {  	v0 =	vadd.f32 v14, v0;
	v11 =	vld [tilespmem:s4+$0xD0]  }
0x30: {  	v2 =	vadd.f32 v15, v2;
	v12 =	vld [tilespmem:s4+$0xE0];
	s4 =	sshra.s32 s5, $0x2;
	s5 =	sadd.s32 $0x200, s5  }
0x31: {  	v13 =	vld [tilespmem:s4+$0xF0]  }
0x32: {  	v14 =	vld [tilespmem:s4+$0x80]  }
0x33: {  	v15 =	vld [tilespmem:s4+$0x90]  }
0x34: {  	v16 =	vld [tilespmem:s4+$0xA0]  }
0x35: {  	v17 =	vld [tilespmem:s4+$0xB0]  }
0x36: {  	v18 =	vld [tilespmem:s4+$0xC0]  }
0x37: {  	v19 =	vld [tilespmem:s4+$0xD0];
	s31 =	simm.s32 $0x2  }
0x38: {  	v20 =	vld [tilespmem:s4+$0xE0];
	_ =	swait.ge [sflag:s31], $0x2000  }
0x39: {  	[sflag:s31] =	ssyncset.done $0x0  }
0x3a: {  	s6 =	simm.s32 $0x0;
	[sflag:s31] =	ssyncadd.s32 $0xFFFFE000  }
0x3b: {  	v3 =	vadd.f32 v5, v3;
	v4 =	vadd.f32 v7, v4;
	v7 =	vld [tilespmem:s6+$0x20F0]  }
0x3c: {  	v6 =	vadd.f32 v6, v9;
	v11 =	vadd.f32 v11, v10;
	v21 =	vld [tilespmem:s6+$0x2080]  }
0x3d: {  	v8 =	vadd.f32 v12, v8;
	v12 =	vadd.f32 v13, v1;
	v13 =	vld [tilespmem:s6+$0x2090]  }
0x3e: {  	v10 =	vld [tilespmem:s6+$0x20A0];
	v14 =	vadd.f32 v14, v0;
	v15 =	vadd.f32 v15, v2  }
0x3f: {  	v9 =	vld [tilespmem:s6+$0x20B0];
	v5 =	vadd.f32 v16, v3;
	v4 =	vadd.f32 v17, v4  }
0x40: {  	v3 =	vadd.f32 v18, v6;
	v2 =	vadd.f32 v19, v11;
	v6 =	vld [tilespmem:s6+$0x20C0]  }
0x41: {  	v1 =	vadd.f32 v20, v8;
	v0 =	vadd.f32 v7, v12;
	v7 =	vld [tilespmem:s6+$0x20D0]  }
0x42: {  	s4 =	simm.s32 $0x80;
	s5 =	simm.s32 $0x400;
	v8 =	vld [tilespmem:s6+$0x20E0];
	v11 =	vadd.f32 v21, v14;
	v12 =	vadd.f32 v13, v15  }
.LBB2_3:
0x43: {  	p0 =	sne.s32 s5, $0x7E00;
	v13 =	vld [tilespmem:s4+$0x20F0];
	v5 =	vadd.f32 v10, v5  }
0x44: {  	v14 =	vld [tilespmem:s4+$0x2080];
	v4 =	vadd.f32 v9, v4  }
0x45: {  	v15 =	vld [tilespmem:s4+$0x2090];
	v3 =	vadd.f32 v6, v3  }
.Ltmp1:
0x46: {  	v10 =	vld [tilespmem:s4+$0x20A0];
	v2 =	vadd.f32 v7, v2;
	(pc) =	sbr.rel @p0 .LBB2_3-.Ltmp1, $4  }
0x47: {  	v9 =	vld [tilespmem:s4+$0x20B0];
	v1 =	vadd.f32 v8, v1  }
0x48: {  	v6 =	vld [tilespmem:s4+$0x20C0];
	v0 =	vadd.f32 v13, v0  }
0x49: {  	v11 =	vadd.f32 v14, v11;
	v7 =	vld [tilespmem:s4+$0x20D0]  }
0x4a: {  	v12 =	vadd.f32 v15, v12;
	v8 =	vld [tilespmem:s4+$0x20E0];
	s4 =	sshra.s32 s5, $0x2;
	s5 =	sadd.s32 $0x200, s5  }
0x4b: {  	v13 =	vld [tilespmem:s4+$0x2080]  }
0x4c: {  	v14 =	vld [tilespmem:s4+$0x2090];
	_ =	sdelay $0x1  }
0x4d: {  	v15 =	vld [tilespmem:s4+$0x20A0];
	_ =	sdelay $0x1  }
0x4e: {  	v5 =	vadd.f32 v10, v5;
	v59 =	vld [tilespmem:s4+$0x20B0]  }
0x4f: {  	v11 =	vadd.f32 v13, v11;
	v12 =	vadd.f32 v14, v12  }
0x50: {  	v60 =	vld [tilespmem:s4+$0x20C0];
	v4 =	vadd.f32 v9, v4  }
0x51: {  	v5 =	vadd.f32 v15, v5;
	v11 =	vadd.f32 v12, v11  }
0x52: {  	v61 =	vld [tilespmem:s4+$0x20D0];
	v3 =	vadd.f32 v6, v3  }
0x53: {  	v4 =	vadd.f32 v59, v4;
	v5 =	vadd.f32 v5, v11  }
0x54: {  	v62 =	vld [tilespmem:s4+$0x20E0];
	v2 =	vadd.f32 v7, v2  }
0x55: {  	v3 =	vadd.f32 v60, v3;
	v4 =	vadd.f32 v4, v5  }
0x56: {  	v63 =	vld [tilespmem:s4+$0x20F0];
	v1 =	vadd.f32 v8, v1  }
0x57: {  	v2 =	vadd.f32 v61, v2;
	v3 =	vadd.f32 v3, v4;
	_ =	sdelay $0x1  }
0x58: {  	v1 =	vadd.f32 v62, v1;
	v2 =	vadd.f32 v2, v3;
	_ =	sdelay $0x1  }
0x59: {  	v0 =	vadd.f32 v63, v0;
	v1 =	vadd.f32 v1, v2;
	_ =	sdelay $0x1  }
0x5a: {  	v0 =	vadd.f32 v0, v1  }
0x5b: {  	s30 =	sshll.u32 s2, $0x4;
	s5 =	simm.s32 $0x0  }
0x5c: {  	s6 =	simm.s32 $0x4080;
	s31 =	simm.s32 $0x3;
	s4 =	sadd.s32 s3, s30;
	[tilespmem:$0x4080] =	vst v0  }
0x5d: {  	[hbm4b:s4+s5] =	stream.linear.scatter [tilespmem:s6], [sflag:$0x3], $0x80, $0x38;
	[tilespmem:$0x4980] =	vst v63  }
0x5e: {  	_ =	swait.ge [sflag:s31], $0x80  }
0x5f: {  	[sflag:s31] =	ssyncset.done $0x0  }
0x60: {  	[sflag:s31] =	ssyncadd.s32 $0xFFFFFF80  }
0x61: {  	p0 =	sne.s32 s2, $0x0;
	[bflag:$0x0] =	sbarrier.arrive $0xFFFF  }
0x62: {  	_ =	sfence.sel @p0 $0x180000  }
0x63: {  	[bflag:$0x0] =	sbarrier.arrive @p0 $0xFFFF  }
0x64: {  	_ =	strace @p0 $0x90000047  }
0x65: {  	s2 =	simm.s32 @!p0 $0x0;
	s4 =	simm.s32 @!p0 $0x4100;
	[bflag:$0x2] =	sbarrier.arrive @p0 $0xFFFF  }
0x66: {  	[tilespmem:s4], [sflag:$0x3] =	stream.linear.gather @!p0 [hbm4b:s3+s2], $0x800, $0x38;
	[tilespmem:$0x4980] =	vst v63  }
0x67: {  	s3 =	simm.s32 @!p0 $0x3  }
0x68: {  	_ =	swait.ge @!p0 [sflag:s3], $0x800  }
0x69: {  	[sflag:s3] =	ssyncset.done @!p0 $0x0  }
0x6a: {  	[sflag:s3] =	ssyncadd.s32 @!p0 $0xFFFFF800  }
0x6b: {  	v0 =	vld @!p0 [tilespmem:$0x4100]  }
0x6c: {  	v1 =	vld @!p0 [tilespmem:$0x4180];
	_ =	sdelay $0x1  }
0x6d: {  	v2 =	vld @!p0 [tilespmem:$0x4200];
	_ =	sdelay $0x1  }
0x6e: {  	v3 =	vld @!p0 [tilespmem:$0x4280]  }
0x6f: {  	v0 =	vadd.f32 @!p0 v1, v0  }
0x70: {  	v1 =	vld @!p0 [tilespmem:$0x4300]  }
0x71: {  	v0 =	vadd.f32 @!p0 v2, v0  }
0x72: {  	v2 =	vld @!p0 [tilespmem:$0x4380]  }
0x73: {  	v0 =	vadd.f32 @!p0 v3, v0  }
0x74: {  	v3 =	vld @!p0 [tilespmem:$0x4400]  }
0x75: {  	v0 =	vadd.f32 @!p0 v1, v0  }
0x76: {  	v1 =	vld @!p0 [tilespmem:$0x4480]  }
0x77: {  	v0 =	vadd.f32 @!p0 v2, v0  }
0x78: {  	v2 =	vld @!p0 [tilespmem:$0x4500]  }
0x79: {  	v0 =	vadd.f32 @!p0 v3, v0  }
0x7a: {  	v3 =	vld @!p0 [tilespmem:$0x4580]  }
0x7b: {  	v0 =	vadd.f32 @!p0 v1, v0  }
0x7c: {  	v1 =	vld @!p0 [tilespmem:$0x4600]  }
0x7d: {  	v0 =	vadd.f32 @!p0 v2, v0  }
0x7e: {  	v2 =	vld @!p0 [tilespmem:$0x4680]  }
0x7f: {  	v0 =	vadd.f32 @!p0 v3, v0  }
0x80: {  	v3 =	vld @!p0 [tilespmem:$0x4700]  }
0x81: {  	v0 =	vadd.f32 @!p0 v1, v0  }
0x82: {  	v1 =	vld @!p0 [tilespmem:$0x4780]  }
0x83: {  	v0 =	vadd.f32 @!p0 v2, v0  }
0x84: {  	v2 =	vld @!p0 [tilespmem:$0x4800]  }
0x85: {  	v0 =	vadd.f32 @!p0 v3, v0  }
0x86: {  	v3 =	vld @!p0 [tilespmem:$0x4880]  }
0x87: {  	v0 =	vadd.f32 @!p0 v1, v0;
	_ =	sdelay $0x1  }
0x88: {  	v0 =	vadd.f32 @!p0 v2, v0;
	_ =	sdelay $0x1  }
0x89: {  	v0 =	vadd.f32 @!p0 v3, v0;
	_ =	sdelay $0x1  }
0x8a: {  	(xrf2) =	vadd.scan.msk.f32 @!p0 $0xffff, v0;
	_ =	sdelay $0x9  }
0x8b: {  	v0, _, _ =	vpop @!p0 (xrf2)  }
0x8c: {  	(v2sf) =	vpush @!p0 v0, $0xF;
	_ =	sdelay $0xe  }
0x8d: {  	s4 =	spop @!p0 (v2sf)  }
0x8e: {  	s4 =	smul.f32 @!p0 $-3.814697270e-06, s4;
	_ =	sdelay $0x1  }
0x8f: {  	s4 =	sadd.f32 @!p0 $-2.079441550e+00, s4;
	_ =	sdelay $0x1  }
0x90: {  	v0 =	vmov @!p0 s4  }
0x91: {  	s4 =	simm.s32 @!p0 $0x4900;
	[tilespmem:$0x4900] =	vst @!p0 v0  }
0x92: {  	[hbm4b:s1+s2] =	stream.linear.scatter @!p0 [tilespmem:s4], [sflag:$0x3], $0x80, $0x38;
	[tilespmem:$0x4980] =	vst v63  }
0x93: {  	_ =	swait.ge @!p0 [sflag:s3], $0x80  }
0x94: {  	[sflag:s3] =	ssyncset.done @!p0 $0x0  }
0x95: {  	[sflag:s3] =	ssyncadd.s32 @!p0 $0xFFFFFF80  }
0x96: {  	_ =	sfence.sel @!p0 $0x180000  }
0x97: {  	[bflag:$0x0] =	sbarrier.arrive @!p0 $0xFFFF  }
0x98: {  	_ =	strace @!p0 $0x90000047  }
0x99: {  	s0 =	sadd.s32 @!p0 $0x100000, s0;
	[bflag:$0x2] =	sbarrier.arrive @!p0 $0xFFFF  }
0x9a: {  	[sflag:s0] =	ssyncadd.tile.s32 @!p0 $0x1;
	_ =	shalt  }
.Lfunc_end2:
_tile_overlayer_lowered:
.L_overlay_start_2:
0x9b: {  	(tag) =	ssettag $0x2  }
0x9c: {  	s0 =	rddreg [dreg:$0x0];
	s2 =	stileid.u32  }
0x9d: {  	s1 =	rddreg [dreg:$0x1];
	p0 =	sne.s32 s2, $0x0  }
0x9e: {  	s3 =	rddreg [dreg:$0x2];
	[bflag:$0x3] =	sbarrier.arrive $0xFFFF;
	s2 =	simm.s32 @!p0 $0x1C03  }
0x9f: {  	[timem:s3], [sflag:s2] =	dma.local @!p0 [hbm:s0], s1  }
0xa0: {  	s0 =	simm.s32 @!p0 $0x3  }
0xa1: {  	_ =	swait.ge @!p0 [sflag:s0], s1  }
0xa2: {  	s1 =	ssub.s32 @!p0 $0x0, s1;
	[sflag:s0] =	ssyncset.done @!p0 $0x0  }
0xa3: {  	[sflag:s0] =	ssyncadd.s32 @!p0 s1  }
0xa4: {  	[bflag:$0x3] =	sbarrier.arrive $0xFFFF  }
0xa5: {  	_ =	shalt  }

</sc_bundles>
